<compile_context>
chip_gen: v7x
topology: tpu7x:2x2x1
jax: 0.10.2.dev20260603
libtpu: 0.0.44.dev20260713+nightly
codegen_flags: <defaults>
</compile_context>

<pallas_src>
import functools

import jax
import jax.numpy as jnp
from jax import lax
from jax.experimental import pallas as pl
from jax.experimental.pallas import tpu as pltpu
from jax.experimental.pallas import tpu_sc as plsc

BATCH = 16384
VOCAB = 1000000
D_ITEM = 64
D_AGE = 16
D_GENDER = 8
AGE_ROWS_PAD = 128
GEN_ROWS_PAD = 8


def _gather_item_rows(item_table, idx):
    info = plsc.get_sparse_core_info()
    nc = info.num_cores
    b_per_c = BATCH // nc
    ch = 1024
    n_chunks = b_per_c // ch

    idx1 = idx.astype(jnp.int32)
    mesh = plsc.ScalarSubcoreMesh(axis_name="c", num_cores=nc)

    @functools.partial(
        pl.kernel,
        mesh=mesh,
        out_type=jax.ShapeDtypeStruct((BATCH, D_ITEM), jnp.float32),
        scratch_types=[
            pltpu.SMEM((ch,), jnp.int32),
            pltpu.SemaphoreType.DMA,
            pltpu.SemaphoreType.DMA,
        ],
    )
    def gather_k(table_hbm, idx_hbm, out_hbm, idx_s, sem, isem):
        cid = lax.axis_index("c")
        base = cid * b_per_c

        def chunk_body(c, _):
            pltpu.async_copy(
                idx_hbm.at[pl.ds(base + c * ch, ch)], idx_s, isem
            ).wait()

            def fire(j, _):
                row = idx_s[j]
                pltpu.async_copy(
                    table_hbm.at[pl.ds(row, 1)],
                    out_hbm.at[pl.ds(base + c * ch + j, 1)],
                    sem,
                )
                return 0

            lax.fori_loop(0, ch, fire, 0)
            return 0

        lax.fori_loop(0, n_chunks, chunk_body, 0)
        pltpu.make_async_copy(
            table_hbm.at[pl.ds(0, b_per_c)],
            out_hbm.at[pl.ds(base, b_per_c)],
            sem,
        ).wait()

    return gather_k(item_table, idx1)


def _mlp_block(item_ref, age_ref, gen_ref, aget_ref, gent_ref,
               w1a_ref, w1b_ref, w1c_ref, b1_ref, w2_ref, b2_ref,
               w3_ref, b3_ref, out_ref):
    bb = item_ref.shape[0]
    f32 = jnp.float32
    age_oh = (age_ref[...] ==
              lax.broadcasted_iota(jnp.int32, (bb, AGE_ROWS_PAD), 1)).astype(f32)
    gen_oh = (gen_ref[...] ==
              lax.broadcasted_iota(jnp.int32, (bb, GEN_ROWS_PAD), 1)).astype(f32)
    age_emb = jnp.dot(age_oh, aget_ref[...], preferred_element_type=f32)
    gen_emb = jnp.dot(gen_oh, gent_ref[...], preferred_element_type=f32)
    h = (jnp.dot(item_ref[...], w1a_ref[...], preferred_element_type=f32)
         + jnp.dot(age_emb, w1b_ref[...], preferred_element_type=f32)
         + jnp.dot(gen_emb, w1c_ref[...], preferred_element_type=f32)
         + b1_ref[...])
    h = jnp.maximum(h, 0.0)
    h = jnp.maximum(jnp.dot(h, w2_ref[...], preferred_element_type=f32)
                    + b2_ref[...], 0.0)
    out_ref[...] = jnp.dot(h, w3_ref[...], preferred_element_type=f32) + b3_ref[...]


def kernel(query_itemid, query_item_age, query_item_gender,
           item_table, age_table, gender_table,
           W1, b1, W2, b2, W3, b3):
    item_emb = _gather_item_rows(item_table, query_itemid)

    age2 = query_item_age.astype(jnp.int32).reshape(BATCH, 1)
    gen2 = query_item_gender.astype(jnp.int32).reshape(BATCH, 1)
    aget = jnp.pad(age_table, ((0, AGE_ROWS_PAD - age_table.shape[0]), (0, 0)))
    gent = jnp.pad(gender_table, ((0, GEN_ROWS_PAD - gender_table.shape[0]), (0, 0)))
    w1a = W1[:D_ITEM]
    w1b = W1[D_ITEM:D_ITEM + D_AGE]
    w1c = W1[D_ITEM + D_AGE:]
    b1r = b1.reshape(1, -1)
    b2r = b2.reshape(1, -1)
    b3r = b3.reshape(1, -1)

    bb = 2048
    grid = (BATCH // bb,)
    const = lambda i: (0, 0)
    out = pl.pallas_call(
        _mlp_block,
        grid=grid,
        in_specs=[
            pl.BlockSpec((bb, D_ITEM), lambda i: (i, 0)),
            pl.BlockSpec((bb, 1), lambda i: (i, 0)),
            pl.BlockSpec((bb, 1), lambda i: (i, 0)),
            pl.BlockSpec((AGE_ROWS_PAD, D_AGE), const),
            pl.BlockSpec((GEN_ROWS_PAD, D_GENDER), const),
            pl.BlockSpec((D_ITEM, 256), const),
            pl.BlockSpec((D_AGE, 256), const),
            pl.BlockSpec((D_GENDER, 256), const),
            pl.BlockSpec((1, 256), const),
            pl.BlockSpec((256, 128), const),
            pl.BlockSpec((1, 128), const),
            pl.BlockSpec((128, 64), const),
            pl.BlockSpec((1, 64), const),
        ],
        out_specs=pl.BlockSpec((bb, 64), lambda i: (i, 0)),
        out_shape=jax.ShapeDtypeStruct((BATCH, 64), jnp.float32),
    )(item_emb, age2, gen2, aget, gent, w1a, w1b, w1c, b1r, W2, b2r, W3, b3r)
    return out

# --- scband reference (transcript-rebuilt; emitter-appended) ---
"""Pipeline reference for scband-query-model-40123584479453 (READ-ONLY COPY).

The authoritative reference and input builder live on the scoring server;
editing this copy changes nothing except your own understanding.
"""

import jax, jax.numpy as jnp
import numpy as np

VOCAB = 1000000
BATCH = 16384
D_ITEM = 64
D_AGE = 16
D_GENDER = 8
D_IN = D_ITEM + D_AGE + D_GENDER  # 88
LAYERS = [256, 128, 64]


def setup_inputs(seed: int = 0) -> dict:
    key = jax.random.key(seed)
    ks = jax.random.split(key, 12)
    query_itemid = jax.random.randint(ks[0], (BATCH,), 0, VOCAB, dtype=jnp.int64 if jax.config.jax_enable_x64 else jnp.int32)
    query_item_age = jax.random.randint(ks[1], (BATCH,), 0, 100)
    query_item_gender = jax.random.randint(ks[2], (BATCH,), 0, 4)
    item_table = jax.random.normal(ks[3], (VOCAB, D_ITEM), dtype=jnp.float32) * 0.02
    age_table = jax.random.normal(ks[4], (100, D_AGE), dtype=jnp.float32) * 0.02
    gender_table = jax.random.normal(ks[5], (4, D_GENDER), dtype=jnp.float32) * 0.02
    W1 = jax.random.normal(ks[6], (D_IN, LAYERS[0]), dtype=jnp.float32) * (1.0 / np.sqrt(D_IN))
    b1 = jnp.zeros((LAYERS[0],), dtype=jnp.float32)
    W2 = jax.random.normal(ks[7], (LAYERS[0], LAYERS[1]), dtype=jnp.float32) * (1.0 / np.sqrt(LAYERS[0]))
    b2 = jnp.zeros((LAYERS[1],), dtype=jnp.float32)
    W3 = jax.random.normal(ks[8], (LAYERS[1], LAYERS[2]), dtype=jnp.float32) * (1.0 / np.sqrt(LAYERS[1]))
    b3 = jnp.zeros((LAYERS[2],), dtype=jnp.float32)
    return {
        "query_itemid": query_itemid,
        "query_item_age": query_item_age,
        "query_item_gender": query_item_gender,
        "item_table": item_table,
        "age_table": age_table,
        "gender_table": gender_table,
        "W1": W1, "b1": b1,
        "W2": W2, "b2": b2,
        "W3": W3, "b3": b3,
    }


def reference(query_itemid, query_item_age, query_item_gender,
              item_table, age_table, gender_table,
              W1, b1, W2, b2, W3, b3):
    # Embedding lookups (SparseCore gathers)
    item_emb = jnp.take(item_table, query_itemid, axis=0)
    age_emb = jnp.take(age_table, query_item_age, axis=0)
    gender_emb = jnp.take(gender_table, query_item_gender, axis=0)
    fc_input = jnp.concatenate([item_emb, age_emb, gender_emb], axis=-1)
    # Dense tower (dropout is identity at inference / training=False)
    h = jax.nn.relu(fc_input @ W1 + b1)
    h = jax.nn.relu(h @ W2 + b2)
    out = h @ W3 + b3
    return out

if __name__ == "__main__":
    import jax
    _d = setup_inputs()
    print(jax.jit(kernel)(*tuple(_d.values())))

</pallas_src>

<mosaic_0001>
#map = affine_map<(d0) -> (0, 0)>
#map1 = affine_map<(d0) -> (0)>
module attributes {stable_mosaic.version = 14 : i64} {
  func.func @gather_k(%arg0: i32, %arg1: memref<1000000x64xf32, #tpu.memory_space<hbm>>, %arg2: memref<16384xi32, #tpu.memory_space<hbm>>, %arg3: memref<16384x64xf32, #tpu.memory_space<hbm>>, %arg4: memref<1024xi32, #tpu.memory_space<smem>>, %arg5: memref<!tpu.dma_semaphore, #tpu.memory_space<semaphore_mem>>, %arg6: memref<!tpu.dma_semaphore, #tpu.memory_space<semaphore_mem>>) attributes {dimension_semantics = [#tpu.dimension_semantics<core_parallel>], iteration_bounds = array<i64: 2>, scalar_prefetch = 0 : i64, scratch_operands = 3 : i64, tpu.core_type = #tpu.core_type<sc_scalar_subcore>, window_params = [{transform_indices = #map}, {transform_indices = #map1}, {transform_indices = #map}]} {
    %mul3A = arith.constant 8192 : i32
    %mul3A_0 = arith.muli %arg0, %mul3A : i32
    %scan3A = arith.constant 0 : i32
    %scan3A_1 = arith.constant 0 : i32
    %scan3A_2 = arith.constant 8 : i32
    %scan3A_3 = arith.addi %scan3A_1, %scan3A_2 : i32
    %scan3A_4 = arith.constant 1 : i32
    %scan3A_5 = scf.for %scan3A_11 = %scan3A_1 to %scan3A_3 step %scan3A_4 iter_args(%scan3A_12 = %scan3A) -> (i32)  : i32 {
      %mul3A_13 = arith.constant 1024 : i32
      %mul3A_14 = arith.muli %scan3A_11, %mul3A_13 : i32
      %add3A = arith.addi %mul3A_0, %mul3A_14 : i32
      %dma_start3A = tpu.memref_slice %arg2[%add3A] : memref<16384xi32, #tpu.memory_space<hbm>> -> memref<1024xi32, #tpu.memory_space<hbm>>
      tpu.enqueue_dma source(%dma_start3A : memref<1024xi32, #tpu.memory_space<hbm>>) target(%arg4 : memref<1024xi32, #tpu.memory_space<smem>>) target_semaphore(%arg6 : memref<!tpu.dma_semaphore, #tpu.memory_space<semaphore_mem>>)
      %dma_wait3A_15 = tpu.memref_slice %arg2[%add3A] : memref<16384xi32, #tpu.memory_space<hbm>> -> memref<1024xi32, #tpu.memory_space<hbm>>
      tpu.wait_dma2 semaphore(%arg6 : memref<!tpu.dma_semaphore, #tpu.memory_space<semaphore_mem>>) src(%dma_wait3A_15 : memref<1024xi32, #tpu.memory_space<hbm>>) dst(%arg4 : memref<1024xi32, #tpu.memory_space<smem>>)
      %scan3A_16 = arith.constant 0 : i32
      %scan3A_17 = arith.constant 0 : i32
      %scan3A_18 = arith.constant 1024 : i32
      %scan3A_19 = arith.addi %scan3A_17, %scan3A_18 : i32
      %scan3A_20 = arith.constant 1 : i32
      %scan3A_21 = scf.for %scan3A_24 = %scan3A_17 to %scan3A_19 step %scan3A_20 iter_args(%scan3A_25 = %scan3A_16) -> (i32)  : i32 {
        %get3A = arith.index_cast %scan3A_24 : i32 to index
        %get3A_26 = memref.load %arg4[%get3A] : memref<1024xi32, #tpu.memory_space<smem>>
        %mul3A_27 = arith.constant 1024 : i32
        %mul3A_28 = arith.muli %scan3A_11, %mul3A_27 : i32
        %add3A_29 = arith.addi %mul3A_0, %mul3A_28 : i32
        %add3A_30 = arith.addi %add3A_29, %scan3A_24 : i32
        %dma_start3A_31 = arith.constant 0 : i32
        %dma_start3A_32 = tpu.memref_slice %arg3[%add3A_30, %dma_start3A_31] : memref<16384x64xf32, #tpu.memory_space<hbm>> -> memref<1x64xf32, #tpu.memory_space<hbm>>
        %dma_start3A_33 = arith.constant 0 : i32
        %dma_start3A_34 = tpu.memref_slice %arg1[%get3A_26, %dma_start3A_33] : memref<1000000x64xf32, #tpu.memory_space<hbm>> -> memref<1x64xf32, #tpu.memory_space<hbm>>
        tpu.enqueue_dma source(%dma_start3A_34 : memref<1x64xf32, #tpu.memory_space<hbm>>) target(%dma_start3A_32 : memref<1x64xf32, #tpu.memory_space<hbm>>) target_semaphore(%arg5 : memref<!tpu.dma_semaphore, #tpu.memory_space<semaphore_mem>>)
        %scan3A_35 = arith.constant 0 : i32
        scf.yield %scan3A_35 : i32
      }
      %scan3A_22 = arith.constant 1024 : i32
      %scan3A_23 = arith.constant 0 : i32
      scf.yield %scan3A_23 : i32
    }
    %scan3A_6 = arith.constant 8 : i32
    %dma_wait3A = arith.constant 0 : i32
    %dma_wait3A_7 = tpu.memref_slice %arg3[%mul3A_0, %dma_wait3A] : memref<16384x64xf32, #tpu.memory_space<hbm>> -> memref<8192x64xf32, #tpu.memory_space<hbm>>
    %dma_wait3A_8 = arith.constant 0 : i32
    %dma_wait3A_9 = arith.constant 0 : i32
    %dma_wait3A_10 = tpu.memref_slice %arg1[%dma_wait3A_8, %dma_wait3A_9] : memref<1000000x64xf32, #tpu.memory_space<hbm>> -> memref<8192x64xf32, #tpu.memory_space<hbm>>
    tpu.wait_dma2 semaphore(%arg5 : memref<!tpu.dma_semaphore, #tpu.memory_space<semaphore_mem>>) src(%dma_wait3A_10 : memref<8192x64xf32, #tpu.memory_space<hbm>>) dst(%dma_wait3A_7 : memref<8192x64xf32, #tpu.memory_space<hbm>>)
    return
  }
}

module attributes {stable_mosaic.version = 14 : i64} {
  func.func @_mlp_block(%arg0: i32, %arg1: memref<2048x64xf32, #tpu.memory_space<vmem>>, %arg2: memref<2048x1xi32, #tpu.memory_space<vmem>>, %arg3: memref<2048x1xi32, #tpu.memory_space<vmem>>, %arg4: memref<128x16xf32, #tpu.memory_space<vmem>>, %arg5: memref<8x8xf32, #tpu.memory_space<vmem>>, %arg6: memref<64x256xf32, #tpu.memory_space<vmem>>, %arg7: memref<16x256xf32, #tpu.memory_space<vmem>>, %arg8: memref<8x256xf32, #tpu.memory_space<vmem>>, %arg9: memref<1x256xf32, #tpu.memory_space<vmem>>, %arg10: memref<256x128xf32, #tpu.memory_space<vmem>>, %arg11: memref<1x128xf32, #tpu.memory_space<vmem>>, %arg12: memref<128x64xf32, #tpu.memory_space<vmem>>, %arg13: memref<1x64xf32, #tpu.memory_space<vmem>>, %arg14: memref<2048x64xf32, #tpu.memory_space<vmem>>) attributes {dimension_semantics = [#tpu.dimension_semantics<arbitrary>], iteration_bounds = array<i64: 8>, scalar_prefetch = 0 : i64, scratch_operands = 0 : i64, tpu.core_type = #tpu.core_type<tc>, window_params = [{transform_indices = @transform_0, window_bounds = array<i64: 2048, 64>}, {transform_indices = @transform_1, window_bounds = array<i64: 2048, 1>}, {transform_indices = @transform_2, window_bounds = array<i64: 2048, 1>}, {pipeline_mode = #tpu.pipeline_mode<synchronous>, transform_indices = @transform_3, window_bounds = array<i64: 128, 16>}, {pipeline_mode = #tpu.pipeline_mode<synchronous>, transform_indices = @transform_4, window_bounds = array<i64: 8, 8>}, {pipeline_mode = #tpu.pipeline_mode<synchronous>, transform_indices = @transform_5, window_bounds = array<i64: 64, 256>}, {pipeline_mode = #tpu.pipeline_mode<synchronous>, transform_indices = @transform_6, window_bounds = array<i64: 16, 256>}, {pipeline_mode = #tpu.pipeline_mode<synchronous>, transform_indices = @transform_7, window_bounds = array<i64: 8, 256>}, {pipeline_mode = #tpu.pipeline_mode<synchronous>, transform_indices = @transform_8, window_bounds = array<i64: 1, 256>}, {pipeline_mode = #tpu.pipeline_mode<synchronous>, transform_indices = @transform_9, window_bounds = array<i64: 256, 128>}, {pipeline_mode = #tpu.pipeline_mode<synchronous>, transform_indices = @transform_10, window_bounds = array<i64: 1, 128>}, {pipeline_mode = #tpu.pipeline_mode<synchronous>, transform_indices = @transform_11, window_bounds = array<i64: 128, 64>}, {pipeline_mode = #tpu.pipeline_mode<synchronous>, transform_indices = @transform_12, window_bounds = array<i64: 1, 64>}, {transform_indices = @transform_13, window_bounds = array<i64: 2048, 64>}]} {
    %get3A = arith.constant 0 : index
    %get3A_0 = arith.constant 0 : index
    %get3A_1 = vector.load %arg2[%get3A, %get3A_0] : memref<2048x1xi32, #tpu.memory_space<vmem>>, vector<2048x1xi32>
    %iota3A = tpu.iota {dimensions = array<i32: 1>} : vector<2048x128xi32>
    %eq3A = vector.broadcast %get3A_1 : vector<2048x1xi32> to vector<2048x128xi32>
    %eq3A_2 = arith.cmpi eq, %eq3A, %iota3A : vector<2048x128xi32>
    %convert_element_type3A = arith.extui %eq3A_2 : vector<2048x128xi1> to vector<2048x128xi32>
    %convert_element_type3A_3 = arith.sitofp %convert_element_type3A : vector<2048x128xi32> to vector<2048x128xf32>
    %get3A_4 = arith.constant 0 : index
    %get3A_5 = arith.constant 0 : index
    %get3A_6 = vector.load %arg3[%get3A_4, %get3A_5] : memref<2048x1xi32, #tpu.memory_space<vmem>>, vector<2048x1xi32>
    %iota3A_7 = tpu.iota {dimensions = array<i32: 1>} : vector<2048x8xi32>
    %eq3A_8 = vector.broadcast %get3A_6 : vector<2048x1xi32> to vector<2048x8xi32>
    %eq3A_9 = arith.cmpi eq, %eq3A_8, %iota3A_7 : vector<2048x8xi32>
    %convert_element_type3A_10 = arith.extui %eq3A_9 : vector<2048x8xi1> to vector<2048x8xi32>
    %convert_element_type3A_11 = arith.sitofp %convert_element_type3A_10 : vector<2048x8xi32> to vector<2048x8xf32>
    %get3A_12 = arith.constant 0 : index
    %get3A_13 = arith.constant 0 : index
    %get3A_14 = vector.load %arg4[%get3A_12, %get3A_13] : memref<128x16xf32, #tpu.memory_space<vmem>>, vector<128x16xf32>
    %dot_general3A = arith.constant dense<0.000000e+00> : vector<2048x16xf32>
    %dot_general3A_15 = tpu.matmul %convert_element_type3A_3, %get3A_14, %dot_general3A {dimension_numbers = #tpu.dot_dimension_numbers<[1], [0], [0], [1], [0, 0, 1, 1], [], []>, transpose_lhs_hint = false} : vector<2048x128xf32>, vector<128x16xf32>, vector<2048x16xf32> -> vector<2048x16xf32>
    %get3A_16 = arith.constant 0 : index
    %get3A_17 = arith.constant 0 : index
    %get3A_18 = vector.load %arg5[%get3A_16, %get3A_17] : memref<8x8xf32, #tpu.memory_space<vmem>>, vector<8x8xf32>
    %dot_general3A_19 = arith.constant dense<0.000000e+00> : vector<2048x8xf32>
    %dot_general3A_20 = tpu.matmul %convert_element_type3A_11, %get3A_18, %dot_general3A_19 {dimension_numbers = #tpu.dot_dimension_numbers<[1], [0], [0], [1], [0, 0, 1, 1], [], []>, transpose_lhs_hint = false} : vector<2048x8xf32>, vector<8x8xf32>, vector<2048x8xf32> -> vector<2048x8xf32>
    %get3A_21 = arith.constant 0 : index
    %get3A_22 = arith.constant 0 : index
    %get3A_23 = vector.load %arg1[%get3A_21, %get3A_22] : memref<2048x64xf32, #tpu.memory_space<vmem>>, vector<2048x64xf32>
    %get3A_24 = arith.constant 0 : index
    %get3A_25 = arith.constant 0 : index
    %get3A_26 = vector.load %arg6[%get3A_24, %get3A_25] : memref<64x256xf32, #tpu.memory_space<vmem>>, vector<64x256xf32>
    %dot_general3A_27 = arith.constant dense<0.000000e+00> : vector<2048x256xf32>
    %dot_general3A_28 = tpu.matmul %get3A_23, %get3A_26, %dot_general3A_27 {dimension_numbers = #tpu.dot_dimension_numbers<[1], [0], [0], [1], [0, 0, 1, 1], [], []>, transpose_lhs_hint = false} : vector<2048x64xf32>, vector<64x256xf32>, vector<2048x256xf32> -> vector<2048x256xf32>
    %get3A_29 = arith.constant 0 : index
    %get3A_30 = arith.constant 0 : index
    %get3A_31 = vector.load %arg7[%get3A_29, %get3A_30] : memref<16x256xf32, #tpu.memory_space<vmem>>, vector<16x256xf32>
    %dot_general3A_32 = arith.constant dense<0.000000e+00> : vector<2048x256xf32>
    %dot_general3A_33 = tpu.matmul %dot_general3A_15, %get3A_31, %dot_general3A_32 {dimension_numbers = #tpu.dot_dimension_numbers<[1], [0], [0], [1], [0, 0, 1, 1], [], []>, transpose_lhs_hint = false} : vector<2048x16xf32>, vector<16x256xf32>, vector<2048x256xf32> -> vector<2048x256xf32>
    %add3A = arith.addf %dot_general3A_28, %dot_general3A_33 : vector<2048x256xf32>
    %get3A_34 = arith.constant 0 : index
    %get3A_35 = arith.constant 0 : index
    %get3A_36 = vector.load %arg8[%get3A_34, %get3A_35] : memref<8x256xf32, #tpu.memory_space<vmem>>, vector<8x256xf32>
    %dot_general3A_37 = arith.constant dense<0.000000e+00> : vector<2048x256xf32>
    %dot_general3A_38 = tpu.matmul %dot_general3A_20, %get3A_36, %dot_general3A_37 {dimension_numbers = #tpu.dot_dimension_numbers<[1], [0], [0], [1], [0, 0, 1, 1], [], []>, transpose_lhs_hint = false} : vector<2048x8xf32>, vector<8x256xf32>, vector<2048x256xf32> -> vector<2048x256xf32>
    %add3A_39 = arith.addf %add3A, %dot_general3A_38 : vector<2048x256xf32>
    %get3A_40 = arith.constant 0 : index
    %get3A_41 = arith.constant 0 : index
    %get3A_42 = vector.load %arg9[%get3A_40, %get3A_41] : memref<1x256xf32, #tpu.memory_space<vmem>>, vector<1x256xf32>
    %add3A_43 = vector.broadcast %get3A_42 : vector<1x256xf32> to vector<2048x256xf32>
    %add3A_44 = arith.addf %add3A_39, %add3A_43 : vector<2048x256xf32>
    %max3A = arith.constant 0.000000e+00 : f32
    %max3A_45 = vector.broadcast %max3A : f32 to vector<2048x256xf32>
    %max3A_46 = arith.maximumf %add3A_44, %max3A_45 : vector<2048x256xf32>
    %get3A_47 = arith.constant 0 : index
    %get3A_48 = arith.constant 0 : index
    %get3A_49 = vector.load %arg10[%get3A_47, %get3A_48] : memref<256x128xf32, #tpu.memory_space<vmem>>, vector<256x128xf32>
    %dot_general3A_50 = arith.constant dense<0.000000e+00> : vector<2048x128xf32>
    %dot_general3A_51 = tpu.matmul %max3A_46, %get3A_49, %dot_general3A_50 {dimension_numbers = #tpu.dot_dimension_numbers<[1], [0], [0], [1], [0, 0, 1, 1], [], []>, transpose_lhs_hint = false} : vector<2048x256xf32>, vector<256x128xf32>, vector<2048x128xf32> -> vector<2048x128xf32>
    %get3A_52 = arith.constant 0 : index
    %get3A_53 = arith.constant 0 : index
    %get3A_54 = vector.load %arg11[%get3A_52, %get3A_53] : memref<1x128xf32, #tpu.memory_space<vmem>>, vector<1x128xf32>
    %add3A_55 = vector.broadcast %get3A_54 : vector<1x128xf32> to vector<2048x128xf32>
    %add3A_56 = arith.addf %dot_general3A_51, %add3A_55 : vector<2048x128xf32>
    %max3A_57 = arith.constant 0.000000e+00 : f32
    %max3A_58 = vector.broadcast %max3A_57 : f32 to vector<2048x128xf32>
    %max3A_59 = arith.maximumf %add3A_56, %max3A_58 : vector<2048x128xf32>
    %get3A_60 = arith.constant 0 : index
    %get3A_61 = arith.constant 0 : index
    %get3A_62 = vector.load %arg12[%get3A_60, %get3A_61] : memref<128x64xf32, #tpu.memory_space<vmem>>, vector<128x64xf32>
    %dot_general3A_63 = arith.constant dense<0.000000e+00> : vector<2048x64xf32>
    %dot_general3A_64 = tpu.matmul %max3A_59, %get3A_62, %dot_general3A_63 {dimension_numbers = #tpu.dot_dimension_numbers<[1], [0], [0], [1], [0, 0, 1, 1], [], []>, transpose_lhs_hint = false} : vector<2048x128xf32>, vector<128x64xf32>, vector<2048x64xf32> -> vector<2048x64xf32>
    %get3A_65 = arith.constant 0 : index
    %get3A_66 = arith.constant 0 : index
    %get3A_67 = vector.load %arg13[%get3A_65, %get3A_66] : memref<1x64xf32, #tpu.memory_space<vmem>>, vector<1x64xf32>
    %add3A_68 = vector.broadcast %get3A_67 : vector<1x64xf32> to vector<2048x64xf32>
    %add3A_69 = arith.addf %dot_general3A_64, %add3A_68 : vector<2048x64xf32>
    %swap3A = arith.constant 0 : index
    %swap3A_70 = arith.constant 0 : index
    %swap3A_71 = vector.load %arg14[%swap3A, %swap3A_70] : memref<2048x64xf32, #tpu.memory_space<vmem>>, vector<2048x64xf32>
    tpu.vector_store %arg14[%swap3A, %swap3A_70], %add3A_69 {strides = array<i32>} : memref<2048x64xf32, #tpu.memory_space<vmem>>, vector<2048x64xf32>,
    return
  }
  func.func @transform_0(%arg0: i32) -> (i32, i32) {
    %c0_i32 = arith.constant 0 : i32
    %c0_i32_0 = arith.constant 0 : i32
    return %arg0, %c0_i32 : i32, i32
  }
  func.func @transform_1(%arg0: i32) -> (i32, i32) {
    %c0_i32 = arith.constant 0 : i32
    %c0_i32_0 = arith.constant 0 : i32
    return %arg0, %c0_i32 : i32, i32
  }
  func.func @transform_2(%arg0: i32) -> (i32, i32) {
    %c0_i32 = arith.constant 0 : i32
    %c0_i32_0 = arith.constant 0 : i32
    return %arg0, %c0_i32 : i32, i32
  }
  func.func @transform_3(%arg0: i32) -> (i32, i32) {
    %c0_i32 = arith.constant 0 : i32
    %c0_i32_0 = arith.constant 0 : i32
    %c0_i32_1 = arith.constant 0 : i32
    return %c0_i32, %c0_i32_0 : i32, i32
  }
  func.func @transform_4(%arg0: i32) -> (i32, i32) {
    %c0_i32 = arith.constant 0 : i32
    %c0_i32_0 = arith.constant 0 : i32
    %c0_i32_1 = arith.constant 0 : i32
    return %c0_i32, %c0_i32_0 : i32, i32
  }
  func.func @transform_5(%arg0: i32) -> (i32, i32) {
    %c0_i32 = arith.constant 0 : i32
    %c0_i32_0 = arith.constant 0 : i32
    %c0_i32_1 = arith.constant 0 : i32
    return %c0_i32, %c0_i32_0 : i32, i32
  }
  func.func @transform_6(%arg0: i32) -> (i32, i32) {
    %c0_i32 = arith.constant 0 : i32
    %c0_i32_0 = arith.constant 0 : i32
    %c0_i32_1 = arith.constant 0 : i32
    return %c0_i32, %c0_i32_0 : i32, i32
  }
  func.func @transform_7(%arg0: i32) -> (i32, i32) {
    %c0_i32 = arith.constant 0 : i32
    %c0_i32_0 = arith.constant 0 : i32
    %c0_i32_1 = arith.constant 0 : i32
    return %c0_i32, %c0_i32_0 : i32, i32
  }
  func.func @transform_8(%arg0: i32) -> (i32, i32) {
    %c0_i32 = arith.constant 0 : i32
    %c0_i32_0 = arith.constant 0 : i32
    %c0_i32_1 = arith.constant 0 : i32
    return %c0_i32, %c0_i32_0 : i32, i32
  }
  func.func @transform_9(%arg0: i32) -> (i32, i32) {
    %c0_i32 = arith.constant 0 : i32
    %c0_i32_0 = arith.constant 0 : i32
    %c0_i32_1 = arith.constant 0 : i32
    return %c0_i32, %c0_i32_0 : i32, i32
  }
  func.func @transform_10(%arg0: i32) -> (i32, i32) {
    %c0_i32 = arith.constant 0 : i32
    %c0_i32_0 = arith.constant 0 : i32
    %c0_i32_1 = arith.constant 0 : i32
    return %c0_i32, %c0_i32_0 : i32, i32
  }
  func.func @transform_11(%arg0: i32) -> (i32, i32) {
    %c0_i32 = arith.constant 0 : i32
    %c0_i32_0 = arith.constant 0 : i32
    %c0_i32_1 = arith.constant 0 : i32
    return %c0_i32, %c0_i32_0 : i32, i32
  }
  func.func @transform_12(%arg0: i32) -> (i32, i32) {
    %c0_i32 = arith.constant 0 : i32
    %c0_i32_0 = arith.constant 0 : i32
    %c0_i32_1 = arith.constant 0 : i32
    return %c0_i32, %c0_i32_0 : i32, i32
  }
  func.func @transform_13(%arg0: i32) -> (i32, i32) {
    %c0_i32 = arith.constant 0 : i32
    %c0_i32_0 = arith.constant 0 : i32
    return %arg0, %c0_i32 : i32, i32
  }
}

</mosaic_0001>

<sc_bundles>
// kernel: kernel.4.cloned.1.call-start
scs
__scs_entry_jumppad:
0x0: {  	(pc) =	sbr.rel $0x88, $3  }
0x1: {  	(tag) =	ssettag $0x0;
	lr =	simm.s32 $0x1  }
0x2: {  	[smem:$0x3F95] =	sst lr;
	_ =	strace $0xD0000000  }
0x3: {  	_ = 	snop  }
0x4: {  	_ = 	snop  }
0x5: {  	_ = 	snop  }
0x6: {  	_ = 	snop  }
0x7: {  	_ = 	snop  }
__scs_overlays_trampoline_lowered:
0x8: {  	[smem:$0x3FA4] =	sst s0  }
0x9: {  	[smem:$0x3FA5] =	sst s1  }
0xa: {  	[smem:$0x3FA6] =	sst s2  }
0xb: {  	[smem:$0x3FA7] =	sst s3  }
0xc: {  	[smem:$0x3FA8] =	sst s4  }
0xd: {  	[smem:$0x3FA9] =	sst s5  }
0xe: {  	[smem:$0x3FAA] =	sst s6  }
0xf: {  	[smem:$0x3FAB] =	sst s7  }
0x10: {  	[smem:$0x3FAC] =	sst s8  }
0x11: {  	[smem:$0x3FAD] =	sst s9;
	s0 =	simm.s32 @!p0 $0x0  }
0x12: {  	s1 =	sld [smem:$0x3F93];
	s0 =	simm.s32 @p0 $0x1  }
0x13: {  	[smem:$0x3FAE] =	sst s0;
	s0 =	simm.s32 @!p1 $0x0  }
0x14: {  	s2 =	sld [smem:$0x3F92];
	s0 =	simm.s32 @p1 $0x1  }
0x15: {  	[smem:$0x3FAF] =	sst s0;
	s0 =	simm.s32 @!p2 $0x0  }
0x16: {  	s3 =	sld [smem:$0x3FDB];
	s0 =	simm.s32 @p2 $0x1  }
0x17: {  	s4 =	simm.s32 $0x1BF5;
	[smem:$0x3FB1] =	sst s0  }
0x18: {  	s0 =	sld [smem:$0x3F94];
	_ =	swait.ge [sflag:s4], $0x0  }
0x19: {  	s7 =	sld [smem:$0x3F95]  }
0x1a: {  	s8 =	sadd.s32 $0xFFFFE003, lr  }
0x1b: {  	s9 =	sadd.s32 $0xFFFFFEF7, lr;
	s5 =	simm.s32 $0xFFFFFFFF;
	p2 =	slt.u32 s8, $0xFFFFF086  }
0x1c: {  	p1 =	slt.u32 s9, $0xF7A;
	s5 =	simm.s32 @!p2 $0x0  }
0x1d: {  	s5 =	simm.s32 @p1 $0x1;
	p0 =	seq.s32 s7, s2  }
0x1e: {  	s7 =	smul.u32 @!p0 $0xF7A, s2;
	p2 =	seq.s32 @!p0 s5, $0x0  }
0x1f: {  	s9 =	smul.u32 $0xF7A, s1;
	s8 =	simm.s32 @!p0 $0x1BF5;
	p2 =	por !p2, p0  }
0x20: {  	[sflag:s8] =	ssyncset.s32 @!p0 $0xFFFFF086;
	s6 =	sadd.s32 @!p0 s3, s7;
	s7 =	simm.s32 @!p0 $0x108  }
0x21: {  	s3 =	sadd.s32 s3, s9;
	s6 =	sadd.s32 @!p0 $0x88, s6;
	s7 =	simm.s32 @p2 $0x1082  }
0x22: {  	[simem:s7], [sflag:s8] =	dma.local @!p0 [hbm:s6], $0xF7A  }
0x23: {  	s9 =	sor.u32 $0xD0000000, s2;
	s6 =	simm.s32 $0x108;
	_ =	swait.ge @!p0 [sflag:s8], $0x0  }
0x24: {  	s3 =	sadd.s32 $0x88, s3;
	s6 =	simm.s32 @!p1 $0x1082;
	[sflag:s4] =	ssyncset.s32 $0xFFFFF086  }
0x25: {  	[simem:s6], [sflag:s4] =	dma.local [hbm:s3], $0xF7A  }
0x26: {  	[smem:$0x3F95] =	sst s1;
	(tag) =	ssettag s2;
	_ =	strace s9  }
0x27: {  	s1 =	sld [smem:$0x3FA5]  }
0x28: {  	s2 =	sld [smem:$0x3FA6]  }
0x29: {  	s4 =	sld [smem:$0x3FA8]  }
0x2a: {  	p0 =	seq.s32 s5, $0x0;
	s5 =	sld [smem:$0x3FA9]  }
0x2b: {  	s6 =	sld [smem:$0x3FAA]  }
0x2c: {  	s7 =	sld [smem:$0x3FAB]  }
0x2d: {  	s3 =	simm.s32 $0x108;
	s8 =	sld [smem:$0x3FAC]  }
0x2e: {  	s3 =	simm.s32 @!p0 $0x1082;
	s9 =	sld [smem:$0x3FAD]  }
0x2f: {  	lr =	sadd.s32 s0, s3;
	s0 =	sld [smem:$0x3FA4]  }
0x30: {  	s3 =	sld [smem:$0x3FA7]  }
0x31: {  	[smem:$0x3FB0] =	sst s10  }
0x32: {  	s10 =	sld [smem:$0x3FAE];
	_ =	sdelay $0x3  }
0x33: {  	p0 =	seq.s32 s10, $0x1;
	s10 =	sld [smem:$0x3FB0];
	_ =	sdelay $0x3  }
0x34: {  	[smem:$0x3FB0] =	sst s10  }
0x35: {  	s10 =	sld [smem:$0x3FAF];
	_ =	sdelay $0x3  }
0x36: {  	p1 =	seq.s32 s10, $0x1;
	s10 =	sld [smem:$0x3FB0];
	_ =	sdelay $0x3  }
0x37: {  	[smem:$0x3FB0] =	sst s10  }
0x38: {  	s10 =	sld [smem:$0x3FB1]  }
0x39: {  	_ = 	snop;
	(pc) =	sbr.ind lr, $3  }
0x3a: {  	_ = 	snop  }
0x3b: {  	_ = 	snop  }
0x3c: {  	p2 =	seq.s32 s10, $0x1;
	s10 =	sld [smem:$0x3FB0]  }
0x3d: {  	_ =	shalt  }
0x3e: {  	_ =	shalt  }
0x3f: {  	_ =	shalt  }
0x40: {  	_ =	shalt  }
0x41: {  	_ =	shalt  }
0x42: {  	_ =	shalt  }
0x43: {  	_ =	shalt  }
0x44: {  	_ =	shalt  }
0x45: {  	_ =	shalt  }
0x46: {  	_ =	shalt  }
0x47: {  	_ =	shalt  }
0x48: {  	_ =	shalt  }
0x49: {  	_ =	shalt  }
0x4a: {  	_ =	shalt  }
0x4b: {  	_ =	shalt  }
0x4c: {  	_ =	shalt  }
0x4d: {  	_ =	shalt  }
0x4e: {  	_ =	shalt  }
0x4f: {  	_ =	shalt  }
0x50: {  	_ =	shalt  }
0x51: {  	_ =	shalt  }
0x52: {  	_ =	shalt  }
0x53: {  	_ =	shalt  }
0x54: {  	_ =	shalt  }
0x55: {  	_ =	shalt  }
0x56: {  	_ =	shalt  }
0x57: {  	_ =	shalt  }
0x58: {  	_ =	shalt  }
0x59: {  	_ =	shalt  }
0x5a: {  	_ =	shalt  }
0x5b: {  	_ =	shalt  }
0x5c: {  	_ =	shalt  }
0x5d: {  	_ =	shalt  }
0x5e: {  	_ =	shalt  }
0x5f: {  	_ =	shalt  }
0x60: {  	_ =	shalt  }
0x61: {  	_ =	shalt  }
0x62: {  	_ =	shalt  }
0x63: {  	_ =	shalt  }
0x64: {  	_ =	shalt  }
0x65: {  	_ =	shalt  }
0x66: {  	_ =	shalt  }
0x67: {  	_ =	shalt  }
0x68: {  	_ =	shalt  }
0x69: {  	_ =	shalt  }
0x6a: {  	_ =	shalt  }
0x6b: {  	_ =	shalt  }
0x6c: {  	_ =	shalt  }
0x6d: {  	_ =	shalt  }
0x6e: {  	_ =	shalt  }
0x6f: {  	_ =	shalt  }
0x70: {  	_ =	shalt  }
0x71: {  	_ =	shalt  }
0x72: {  	_ =	shalt  }
0x73: {  	_ =	shalt  }
0x74: {  	_ =	shalt  }
0x75: {  	_ =	shalt  }
0x76: {  	_ =	shalt  }
0x77: {  	_ =	shalt  }
0x78: {  	_ =	shalt  }
0x79: {  	_ =	shalt  }
0x7a: {  	_ =	shalt  }
0x7b: {  	_ =	shalt  }
0x7c: {  	_ =	shalt  }
0x7d: {  	_ =	shalt  }
0x7e: {  	_ =	shalt  }
0x7f: {  	_ =	shalt  }
0x80: {  	_ =	shalt  }
0x81: {  	_ =	shalt  }
0x82: {  	_ =	shalt  }
0x83: {  	_ =	shalt  }
0x84: {  	_ =	shalt  }
0x85: {  	_ =	shalt  }
0x86: {  	_ =	shalt  }
0x87: {  	_ =	shalt  }
.Lfunc_end0:
.L_simem_size_0:
called_computation_lowered:
.L_overlay_start_0:
0x88: {  	s2 =	sld [smem:$0x3FD9]  }
0x89: {  	s3 =	sld [smem:$0x3FFE];
	_ =	sdelay $0x1  }
0x8a: {  	s1 =	srdreg.scid  }
0x8b: {  	s0 =	sand.u32 $0x1, s1  }
0x8c: {  	s29 =	sshll.u32 s0, $0xA;
	s2 =	sadd.s32 s3, s2  }
0x8d: {  	s2 =	sadd.s32 s2, s29  }
0x8e: {  	s3 =	simm.s32 $0x0;
	[smem:$0x3FBC] =	sst s2  }
0x8f: {  	[smem:$0xF] =	sst s3  }
0x90: {  	s2 =	sld [smem:$0x3FC9];
	(tm) =	ssettm $0x1  }
0x91: {  	s4 =	sld [smem:$0x3FFB];
	_ =	sdelay $0x3  }
0x92: {  	_ =	strace s4  }
0x93: {  	s4 =	sld [smem:$0x3FFC];
	_ =	sdelay $0x3  }
0x94: {  	_ =	strace s4  }
0x95: {  	s4 =	sld [smem:$0x3FFD];
	_ =	sdelay $0x3  }
0x96: {  	_ =	strace s4  }
0x97: {  	s30 =	simm.s32 $0x1B8B;
	_ =	strace $0x8FFFFFFF  }
0x98: {  	_ =	swait.ge [sflag:s30], $0x1  }
0x99: {  	[sflag:s30] =	ssyncset.done $0x0;
	s5 =	sld [smem:$0x3FFE]  }
0x9a: {  	s31 =	simm.s32 $0x1B8E;
	[sflag:s30] =	ssyncadd.s32 $0xFFFFFFFF  }
0x9b: {  	s8 =	simm.s32 $0xA;
	[smem:$0x3FD2] =	sst s31  }
0x9c: {  	s9 =	simm.s32 $0x9;
	s6 =	sshll.u32 s0, $0xD;
	_ =	strace $0x80000046  }
0x9d: {  	s7 =	sshll.u32 s0, $0x11;
	s4 =	sadd.s32 $0x1A00, s5;
	s5 =	sadd.s32 $0xF43E00, s5  }
.LBB1_1:
0x9e: {  	s10 =	sshll.u32 s3, $0xA  }
0x9f: {  	s10 =	sadd.s32 s6, s10  }
0xa0: {  	s10 =	sshrl.u32 s10, $0x3  }
0xa1: {  	s11 =	sadd.s32 s2, s10;
	s10 =	simm.s32 $0x10  }
0xa2: {  	[smem:s10], [sflag:s8] =	dma.local [hbm:s11], $0x80  }
0xa3: {  	_ =	swait.ge [sflag:s8], $0x80  }
0xa4: {  	[sflag:s8] =	ssyncset.done $0x0  }
0xa5: {  	[sflag:s8] =	ssyncadd.s32 $0xFFFFFF80  }
0xa6: {  	s13 =	simm.s32 $0x0;
	s11 =	simm.s32 $0x10;
	s12 =	sld [smem:$0x10]  }
.LBB1_2:
0xa7: {  	p0 =	sne.s32 s11, $0x3FF0;
	_ =	sdelay $0x1  }
0xa8: {  	s14 =	sadd.s32 s13, s7  }
0xa9: {  	s13 =	sand.u32 $0x70, s13;
	s14 =	sand.u32 $0x3FF80, s14;
	s12 =	sshll.u32 s12, $0x4  }
.Ltmp0:
0xaa: {  	s13 =	sadd.s32 s5, s13;
	s12 =	sand.u32 $0x1FFFFFF0, s12;
	(pc) =	sbr.rel @p0 .LBB1_2-.Ltmp0, $3  }
0xab: {  	s10 =	sadd.s32 $0x1, s10;
	s13 =	sadd.s32 s14, s13;
	s12 =	sadd.s32 s4, s12  }
0xac: {  	[hbm:s13], [sflag:s9] =	dma.local [hbm:s12], $0x10  }
0xad: {  	s13 =	smov.u32 s11;
	s11 =	sadd.s32 $0x10, s11;
	s12 =	sld [smem:s10+$0x0]  }
0xae: {  	_ =	sdelay $0x1  }
0xaf: {  	s10 =	sadd.s32 s13, s7;
	s11 =	sand.u32 $0x70, s13  }
0xb0: {  	s3 =	sadd.s32 $0x1, s3;
	s10 =	sand.u32 $0x3FF80, s10;
	s12 =	sshll.u32 s12, $0x4  }
0xb1: {  	s11 =	sadd.s32 s5, s11;
	p0 =	sne.s32 s3, $0x8;
	s12 =	sand.u32 $0x1FFFFFF0, s12  }
0xb2: {  	s10 =	sadd.s32 s10, s11;
	s2 =	simm.s32 @!p0 $0x9;
	s12 =	sadd.s32 s4, s12  }
0xb3: {  	[hbm:s10], [sflag:s9] =	dma.local [hbm:s12], $0x10  }
0xb4: {  	_ =	swait.ge @!p0 [sflag:s2], $0x20000  }
0xb5: {  	[sflag:s2] =	ssyncset.done @!p0 $0x0  }
0xb6: {  	[sflag:s2] =	ssyncadd.s32 @!p0 $0xFFFE0000  }
0xb7: {  	_ =	strace @!p0 $0x90000046  }
0xb8: {  	_ =	sfence @!p0  }
0xb9: {  	s2 =	sld @!p0 [smem:$0x0];
	_ =	sdelay $0x2  }
0xba: {  	s3 =	sshll.u32 @!p0 s1, $0xD;
	s1 =	sshrl.u32 @!p0 s1, $0x2  }
0xbb: {  	s1 =	sadd.s32 @!p0 s1, s2;
	s2 =	sand.u32 @!p0 $0x4000, s3  }
0xbc: {  	s0 =	sor.u32 @!p0 s2, s0;
	s1 =	sshll.u32 @!p0 s1, $0x11  }
0xbd: {  	s0 =	sor.u32 @!p0 s1, s0  }
0xbe: {  	s0 =	sadd.s32 @!p0 $0x8F2B, s0;
	(pc) =	sbr.abs @!p0 _section_cstart, $3  }
0xbf: {  	[sflag:s0] =	ssyncadd.remote.s32 @!p0 $0x1  }
0xc0: {  	_ =	strace @!p0 $0x9FFFFFFF  }
0xc1: {  	s7 =	sadd.s32 $0x4000, s7;
	(tm) =	ssettm @!p0 $0x7FFFFFFF  }
.Ltmp1:
0xc2: {  	_ = 	snop;
	(pc) =	sbr.rel .LBB1_1-.Ltmp1, $1  }
0xc3: {  	_ =	sdelay $0x2  }

</sc_bundles>
